<compile_context>
chip_gen: v7x
topology: tpu7x:2x2x1
jax: 0.10.2.dev20260603
libtpu: 0.0.44.dev20260713+nightly
codegen_flags: <defaults>
</compile_context>

<pallas_src>
import jax
import jax.numpy as jnp
import numpy as np
from jax import lax
from jax.experimental import pallas as pl
from jax.experimental.pallas import tpu as pltpu
from jax.experimental.pallas import tpu_sc as plsc

INPUT_BITS = 64
N_GROUPS = 4
GROUP_BITS = 16
TABLE = 1 << GROUP_BITS

NC, NS = 2, 16
NW = NC * NS
TILES_PER_GROUP = NW // N_GROUPS
CH = 16384

_PACK_BLK = 32768
_BLK = 32768


def _pack_rows_kernel(x_ref, wt_ref, o_ref):
    x = x_ref[...].astype(jnp.bfloat16)
    wt = wt_ref[...]
    a = lax.dot_general(wt, x, (((1,), (0,)), ((), ())),
                        preferred_element_type=jnp.float32)
    o_ref[...] = a.astype(jnp.int32)


def _final_kernel(a_ref, g_ref, ft_ref, o_ref):
    blk = a_ref.shape[1]
    a_t = a_ref[...]
    g_t = g_ref[...]

    x_t = a_t ^ g_t
    z1 = jnp.zeros((1, blk), jnp.int32)
    pg = jnp.concatenate([z1, a_t[:N_GROUPS - 1, :]], axis=0)
    ng = jnp.concatenate([a_t[1:, :], z1], axis=0)
    ext = (a_t << 1) | ((pg >> 15) & 1) | ((ng & 1) << 17)

    def rep16(x):
        return jnp.concatenate(
            [jnp.broadcast_to(x[g:g + 1, :], (GROUP_BITS, blk))
             for g in range(N_GROUPS)], axis=0)

    ft = ft_ref[...]
    fpack = jnp.zeros((INPUT_BITS, 1), jnp.int32)
    for aa in range(8):
        rev = ((aa & 1) << 2) | (aa & 2) | ((aa >> 2) & 1)
        fpack = fpack | (ft[:, aa:aa + 1] << rev)

    k = lax.broadcasted_iota(jnp.int32, (INPUT_BITS, blk), 0) & 15
    tri = (rep16(ext) >> k) & 7
    flip = (jnp.broadcast_to(fpack, (INPUT_BITS, blk)) >> tri) & 1
    o_ref[...] = ((rep16(x_t) >> k) & 1) ^ flip


def _make_sc_gather(batch):
    rows_per_tile = batch // TILES_PER_GROUP

    def body(ptab_hbm, addr_hbm, out_hbm, tab_v, idx_v, res_v):
        cid = lax.axis_index("c")
        sid = lax.axis_index("s")
        wid = sid * NC + cid
        g = wid % N_GROUPS
        t = wid // N_GROUPS
        base = t * rows_per_tile
        pltpu.sync_copy(ptab_hbm.at[g], tab_v)

        for c in range(rows_per_tile // CH):
            off = base + c * CH
            pltpu.sync_copy(addr_hbm.at[g, pl.ds(off, CH)], idx_v)

            @plsc.parallel_loop(0, CH // 16, unroll=8)
            def gather_step(i):
                ix = idx_v[pl.ds(i * 16, 16)]
                res_v[pl.ds(i * 16, 16)] = plsc.load_gather(tab_v, [ix])
            pltpu.sync_copy(res_v, out_hbm.at[g, pl.ds(off, CH)])

    mesh = plsc.VectorSubcoreMesh(core_axis_name="c", subcore_axis_name="s",
                                  num_cores=NC, num_subcores=NS)
    return pl.kernel(
        body,
        out_type=jax.ShapeDtypeStruct((N_GROUPS, batch), jnp.int32),
        mesh=mesh,
        compiler_params=pltpu.CompilerParams(needs_layout_passes=False),
        scratch_types=[
            pltpu.VMEM((TABLE,), jnp.int32),
            pltpu.VMEM((CH,), jnp.int32),
            pltpu.VMEM((CH,), jnp.int32),
        ],
    )


def _pack_rows(x_t, wt, blk):
    n = x_t.shape[1]
    return pl.pallas_call(
        _pack_rows_kernel,
        grid=(n // blk,),
        in_specs=[
            pl.BlockSpec((INPUT_BITS, blk), lambda i: (0, i)),
            pl.BlockSpec((N_GROUPS, INPUT_BITS), lambda i: (0, 0)),
        ],
        out_specs=pl.BlockSpec((N_GROUPS, blk), lambda i: (0, i)),
        out_shape=jax.ShapeDtypeStruct((N_GROUPS, n), jnp.int32),
    )(x_t, wt)


def kernel(bits, comp_table, flip_table):
    batch = bits.shape[0]

    wt = np.zeros((N_GROUPS, INPUT_BITS), np.float32)
    for j in range(INPUT_BITS):
        wt[j // GROUP_BITS, j] = float(1 << (j % GROUP_BITS))
    wt = jnp.asarray(wt, jnp.bfloat16)

    ct2 = jnp.transpose(comp_table, (0, 2, 1)).reshape(
        N_GROUPS * GROUP_BITS, TABLE)
    ptab = _pack_rows(ct2, wt, _PACK_BLK)

    bits_t = jnp.transpose(bits)
    addr_t = _pack_rows(bits_t, wt, _BLK)

    gath_t = _make_sc_gather(batch)(ptab, addr_t)

    n_blk = batch // _BLK
    out_t = pl.pallas_call(
        _final_kernel,
        grid=(n_blk,),
        in_specs=[
            pl.BlockSpec((N_GROUPS, _BLK), lambda i: (0, i)),
            pl.BlockSpec((N_GROUPS, _BLK), lambda i: (0, i)),
            pl.BlockSpec((INPUT_BITS, 8), lambda i: (0, 0)),
        ],
        out_specs=pl.BlockSpec((INPUT_BITS, _BLK), lambda i: (0, i)),
        out_shape=jax.ShapeDtypeStruct((INPUT_BITS, batch), jnp.int32),
    )(addr_t, gath_t, flip_table)
    return jnp.transpose(out_t)

# --- scband reference (transcript-rebuilt; emitter-appended) ---
"""Pipeline reference for scband-generalizing-projection-18691697672524 (READ-ONLY COPY).

The authoritative reference and input builder live on the scoring server;
editing this copy changes nothing except your own understanding.
"""

import jax, jax.numpy as jnp
import numpy as np

INPUT_BITS = 64
N_GROUPS = 4
GROUP_BITS = INPUT_BITS // N_GROUPS  # 16
LOCAL_WINDOW = 3
BATCH = 262144


def setup_inputs(seed: int = 0) -> dict:
    key = jax.random.key(seed)
    k1, k2, k3 = jax.random.split(key, 3)
    # forward arg: binary input rows
    bits = jax.random.randint(k1, (BATCH, INPUT_BITS), 0, 2, dtype=jnp.int32)
    # CompositionalMapper RAM tables: one 2^GROUP_BITS-entry table per group,
    # each entry holding GROUP_BITS output bits
    comp_table = jax.random.randint(k2, (N_GROUPS, 2 ** GROUP_BITS, GROUP_BITS), 0, 2, dtype=jnp.int32)
    # BitLevelMapper (LOCAL context window=3, OutputMode.FLIP): per-bit-position
    # table of flip bits addressed by the packed 3-bit local context
    flip_table = jax.random.randint(k3, (INPUT_BITS, 2 ** LOCAL_WINDOW), 0, 2, dtype=jnp.int32)
    return {"bits": bits, "comp_table": comp_table, "flip_table": flip_table}


def _compositional(bits, comp_table):
    B = bits.shape[0]
    g = bits.reshape(B, N_GROUPS, GROUP_BITS)
    pw = (2 ** jnp.arange(GROUP_BITS, dtype=jnp.int32))
    addr = jnp.sum(g * pw[None, None, :], axis=-1)  # [B, N_GROUPS] packed addresses
    out = comp_table[jnp.arange(N_GROUPS)[None, :], addr]  # gather -> [B, N_GROUPS, GROUP_BITS]
    return out.reshape(B, INPUT_BITS)


def _bit_level(bits, flip_table):
    padded = jnp.pad(bits, ((0, 0), (1, 1)))
    ctx = padded[:, :-2] * 4 + padded[:, 1:-1] * 2 + padded[:, 2:]  # [B, INPUT_BITS] 3-bit addr
    flip = flip_table[jnp.arange(INPUT_BITS)[None, :], ctx]  # gather per bit position
    return jnp.bitwise_xor(bits, flip)  # OutputMode.FLIP


def reference(bits, comp_table, flip_table):
    # HYBRID strategy: compositional output XOR bit-level (residual) output
    comp_out = _compositional(bits, comp_table)
    bit_out = _bit_level(bits, flip_table)
    return jnp.bitwise_xor(comp_out, bit_out)

if __name__ == "__main__":
    import jax
    _d = setup_inputs()
    print(jax.jit(kernel)(*tuple(_d.values())))

</pallas_src>

<mosaic_0001>
#map = affine_map<(d0, d1) -> (0, 0)>
module attributes {stable_mosaic.version = 14 : i64} {
  func.func @body(%arg0: i32, %arg1: i32, %arg2: memref<4x65536xi32, #tpu.memory_space<hbm>>, %arg3: memref<4x262144xi32, #tpu.memory_space<hbm>>, %arg4: memref<4x262144xi32, #tpu.memory_space<hbm>>, %arg5: memref<65536xi32, #tpu.memory_space<vmem>>, %arg6: memref<16384xi32, #tpu.memory_space<vmem>>, %arg7: memref<16384xi32, #tpu.memory_space<vmem>>) attributes {dimension_semantics = [#tpu.dimension_semantics<core_parallel>, #tpu.dimension_semantics<subcore_parallel>], iteration_bounds = array<i64: 2, 16>, scalar_prefetch = 0 : i64, scratch_operands = 3 : i64, tpu.core_type = #tpu.core_type<sc_vector_subcore>, window_params = [{transform_indices = #map}, {transform_indices = #map}, {transform_indices = #map}]} {
    %mul3A = arith.constant 2 : i32
    %mul3A_0 = arith.muli %arg1, %mul3A : i32
    %add3A = arith.addi %mul3A_0, %arg0 : i32
    %jit3A = arith.constant 4 : i32
    %eq3A = arith.constant 0 : i32
    %eq3A_1 = arith.cmpi eq, %jit3A, %eq3A : i32
    %jit3A_2 = arith.constant 1 : i32
    %select_n3A = arith.select %eq3A_1, %jit3A_2, %jit3A : i32
    %rem3A = arith.remsi %add3A, %select_n3A : i32
    %ne3A = arith.constant 0 : i32
    %ne3A_3 = arith.cmpi ne, %rem3A, %ne3A : i32
    %lt3A = arith.constant 0 : i32
    %lt3A_4 = arith.cmpi slt, %rem3A, %lt3A : i32
    %lt3A_5 = arith.constant 0 : i32
    %lt3A_6 = arith.cmpi slt, %select_n3A, %lt3A_5 : i32
    %ne3A_7 = arith.xori %lt3A_4, %lt3A_6 : i1
    %and3A = arith.andi %ne3A_7, %ne3A_3 : i1
    %add3A_8 = arith.addi %rem3A, %select_n3A : i32
    %select_n3A_9 = arith.select %and3A, %add3A_8, %rem3A : i32
    %jit3A_10 = arith.constant 4 : i32
    %div3A = arith.divsi %add3A, %jit3A_10 : i32
    %sign3A = arith.constant 0 : i32
    %sign3A_11 = arith.cmpi sgt, %add3A, %sign3A : i32
    %sign3A_12 = arith.extui %sign3A_11 : i1 to i32
    %sign3A_13 = arith.constant 0 : i32
    %sign3A_14 = arith.cmpi slt, %add3A, %sign3A_13 : i32
    %sign3A_15 = arith.extui %sign3A_14 : i1 to i32
    %sign3A_16 = arith.subi %sign3A_12, %sign3A_15 : i32
    %sign3A_17 = arith.constant 0 : i32
    %sign3A_18 = arith.cmpi sgt, %jit3A_10, %sign3A_17 : i32
    %sign3A_19 = arith.extui %sign3A_18 : i1 to i32
    %sign3A_20 = arith.constant 0 : i32
    %sign3A_21 = arith.cmpi slt, %jit3A_10, %sign3A_20 : i32
    %sign3A_22 = arith.extui %sign3A_21 : i1 to i32
    %sign3A_23 = arith.subi %sign3A_19, %sign3A_22 : i32
    %ne3A_24 = arith.cmpi ne, %sign3A_16, %sign3A_23 : i32
    %rem3A_25 = arith.remsi %add3A, %jit3A_10 : i32
    %ne3A_26 = arith.constant 0 : i32
    %ne3A_27 = arith.cmpi ne, %rem3A_25, %ne3A_26 : i32
    %and3A_28 = arith.andi %ne3A_24, %ne3A_27 : i1
    %sub3A = arith.constant 1 : i32
    %sub3A_29 = arith.subi %div3A, %sub3A : i32
    %select_n3A_30 = arith.select %and3A_28, %sub3A_29, %div3A : i32
    %mul3A_31 = arith.constant 32768 : i32
    %mul3A_32 = arith.muli %select_n3A_30, %mul3A_31 : i32
    "tpu.region"() ({
      %run_scoped3A = tpu.sem_alloc : memref<!tpu.dma_semaphore, #tpu.memory_space<semaphore_mem>>
      %dma_start3A = arith.constant 0 : i32
      %dma_start3A_42 = tpu.memref_slice %arg2[%select_n3A_9, %dma_start3A] : memref<4x65536xi32, #tpu.memory_space<hbm>> -> memref<1x65536xi32, #tpu.memory_space<hbm>>
      %dma_start3A_43 = tpu.memref_squeeze %dma_start3A_42 : memref<1x65536xi32, #tpu.memory_space<hbm>> -> memref<65536xi32, #tpu.memory_space<hbm>>
      %dma_start3A_44 = arith.constant 0 : i32
      %dma_start3A_45 = tpu.memref_slice %arg2[%select_n3A_9, %dma_start3A_44] : memref<4x65536xi32, #tpu.memory_space<hbm>> -> memref<1x65536xi32, #tpu.memory_space<hbm>>
      %dma_start3A_46 = tpu.memref_squeeze %dma_start3A_45 : memref<1x65536xi32, #tpu.memory_space<hbm>> -> memref<65536xi32, #tpu.memory_space<hbm>>
      tpu.enqueue_dma source(%dma_start3A_46 : memref<65536xi32, #tpu.memory_space<hbm>>) target(%arg5 : memref<65536xi32, #tpu.memory_space<vmem>>) target_semaphore(%run_scoped3A : memref<!tpu.dma_semaphore, #tpu.memory_space<semaphore_mem>>)
      %dma_wait3A = arith.constant 0 : i32
      %dma_wait3A_47 = tpu.memref_slice %arg2[%select_n3A_9, %dma_wait3A] : memref<4x65536xi32, #tpu.memory_space<hbm>> -> memref<1x65536xi32, #tpu.memory_space<hbm>>
      %dma_wait3A_48 = tpu.memref_squeeze %dma_wait3A_47 : memref<1x65536xi32, #tpu.memory_space<hbm>> -> memref<65536xi32, #tpu.memory_space<hbm>>
      %dma_wait3A_49 = arith.constant 0 : i32
      %dma_wait3A_50 = tpu.memref_slice %arg2[%select_n3A_9, %dma_wait3A_49] : memref<4x65536xi32, #tpu.memory_space<hbm>> -> memref<1x65536xi32, #tpu.memory_space<hbm>>
      %dma_wait3A_51 = tpu.memref_squeeze %dma_wait3A_50 : memref<1x65536xi32, #tpu.memory_space<hbm>> -> memref<65536xi32, #tpu.memory_space<hbm>>
      tpu.wait_dma2 semaphore(%run_scoped3A : memref<!tpu.dma_semaphore, #tpu.memory_space<semaphore_mem>>) src(%dma_wait3A_51 : memref<65536xi32, #tpu.memory_space<hbm>>) dst(%arg5 : memref<65536xi32, #tpu.memory_space<vmem>>)
      tpu.yield
    }) : () -> ()
    %add3A_33 = arith.constant 0 : i32
    %add3A_34 = arith.addi %mul3A_32, %add3A_33 : i32
    "tpu.region"() ({
      %run_scoped3A = tpu.sem_alloc : memref<!tpu.dma_semaphore, #tpu.memory_space<semaphore_mem>>
      %dma_start3A = tpu.memref_slice %arg3[%select_n3A_9, %add3A_34] : memref<4x262144xi32, #tpu.memory_space<hbm>> -> memref<1x16384xi32, #tpu.memory_space<hbm>>
      %dma_start3A_42 = tpu.memref_squeeze %dma_start3A : memref<1x16384xi32, #tpu.memory_space<hbm>> -> memref<16384xi32, #tpu.memory_space<hbm>>
      %dma_start3A_43 = tpu.memref_slice %arg3[%select_n3A_9, %add3A_34] : memref<4x262144xi32, #tpu.memory_space<hbm>> -> memref<1x16384xi32, #tpu.memory_space<hbm>>
      %dma_start3A_44 = tpu.memref_squeeze %dma_start3A_43 : memref<1x16384xi32, #tpu.memory_space<hbm>> -> memref<16384xi32, #tpu.memory_space<hbm>>
      tpu.enqueue_dma source(%dma_start3A_44 : memref<16384xi32, #tpu.memory_space<hbm>>) target(%arg6 : memref<16384xi32, #tpu.memory_space<vmem>>) target_semaphore(%run_scoped3A : memref<!tpu.dma_semaphore, #tpu.memory_space<semaphore_mem>>)
      %dma_wait3A = tpu.memref_slice %arg3[%select_n3A_9, %add3A_34] : memref<4x262144xi32, #tpu.memory_space<hbm>> -> memref<1x16384xi32, #tpu.memory_space<hbm>>
      %dma_wait3A_45 = tpu.memref_squeeze %dma_wait3A : memref<1x16384xi32, #tpu.memory_space<hbm>> -> memref<16384xi32, #tpu.memory_space<hbm>>
      %dma_wait3A_46 = tpu.memref_slice %arg3[%select_n3A_9, %add3A_34] : memref<4x262144xi32, #tpu.memory_space<hbm>> -> memref<1x16384xi32, #tpu.memory_space<hbm>>
      %dma_wait3A_47 = tpu.memref_squeeze %dma_wait3A_46 : memref<1x16384xi32, #tpu.memory_space<hbm>> -> memref<16384xi32, #tpu.memory_space<hbm>>
      tpu.wait_dma2 semaphore(%run_scoped3A : memref<!tpu.dma_semaphore, #tpu.memory_space<semaphore_mem>>) src(%dma_wait3A_47 : memref<16384xi32, #tpu.memory_space<hbm>>) dst(%arg6 : memref<16384xi32, #tpu.memory_space<vmem>>)
      tpu.yield
    }) : () -> ()
    %parallel_loop3A = arith.constant 0 : i32
    %parallel_loop3A_35 = arith.constant 1024 : i32
    %parallel_loop3A_36 = arith.constant 1 : i32
    scf.for %parallel_loop3A_42 = %parallel_loop3A to %parallel_loop3A_35 step %parallel_loop3A_36  : i32 {
      %parallel_loop3A_43 = arith.constant 16 : i32
      %parallel_loop3A_44 = arith.muli %parallel_loop3A_42, %parallel_loop3A_43 : i32
      %parallel_loop3A_45 = arith.index_cast %parallel_loop3A_44 : i32 to index
      %parallel_loop3A_46 = tpu.vector_load %arg6[%parallel_loop3A_45] {strides = array<i32>} : memref<16384xi32, #tpu.memory_space<vmem>>, vector<16xi32>,
      %parallel_loop3A_47 = tpu.vector_load_idx %arg5[%parallel_loop3A_46] : memref<65536xi32, #tpu.memory_space<vmem>>[vector<16xi32>], vector<16xi32>,
      %parallel_loop3A_48 = arith.constant 16 : i32
      %parallel_loop3A_49 = arith.muli %parallel_loop3A_42, %parallel_loop3A_48 : i32
      %parallel_loop3A_50 = arith.index_cast %parallel_loop3A_49 : i32 to index
      %parallel_loop3A_51 = tpu.vector_load %arg7[%parallel_loop3A_50] {strides = array<i32>} : memref<16384xi32, #tpu.memory_space<vmem>>, vector<16xi32>,
      tpu.vector_store %arg7[%parallel_loop3A_50], %parallel_loop3A_47 {strides = array<i32>} : memref<16384xi32, #tpu.memory_space<vmem>>, vector<16xi32>,
    } {sc.loop_unroll_factor = 8 : i64, sc.parallel_access}
    "tpu.region"() ({
      %run_scoped3A = tpu.sem_alloc : memref<!tpu.dma_semaphore, #tpu.memory_space<semaphore_mem>>
      %dma_start3A = tpu.memref_slice %arg4[%select_n3A_9, %add3A_34] : memref<4x262144xi32, #tpu.memory_space<hbm>> -> memref<1x16384xi32, #tpu.memory_space<hbm>>
      %dma_start3A_42 = tpu.memref_squeeze %dma_start3A : memref<1x16384xi32, #tpu.memory_space<hbm>> -> memref<16384xi32, #tpu.memory_space<hbm>>
      %dma_start3A_43 = tpu.memref_slice %arg4[%select_n3A_9, %add3A_34] : memref<4x262144xi32, #tpu.memory_space<hbm>> -> memref<1x16384xi32, #tpu.memory_space<hbm>>
      %dma_start3A_44 = tpu.memref_squeeze %dma_start3A_43 : memref<1x16384xi32, #tpu.memory_space<hbm>> -> memref<16384xi32, #tpu.memory_space<hbm>>
      tpu.enqueue_dma source(%arg7 : memref<16384xi32, #tpu.memory_space<vmem>>) target(%dma_start3A_44 : memref<16384xi32, #tpu.memory_space<hbm>>) target_semaphore(%run_scoped3A : memref<!tpu.dma_semaphore, #tpu.memory_space<semaphore_mem>>)
      %dma_wait3A = tpu.memref_slice %arg4[%select_n3A_9, %add3A_34] : memref<4x262144xi32, #tpu.memory_space<hbm>> -> memref<1x16384xi32, #tpu.memory_space<hbm>>
      %dma_wait3A_45 = tpu.memref_squeeze %dma_wait3A : memref<1x16384xi32, #tpu.memory_space<hbm>> -> memref<16384xi32, #tpu.memory_space<hbm>>
      %dma_wait3A_46 = tpu.memref_slice %arg4[%select_n3A_9, %add3A_34] : memref<4x262144xi32, #tpu.memory_space<hbm>> -> memref<1x16384xi32, #tpu.memory_space<hbm>>
      %dma_wait3A_47 = tpu.memref_squeeze %dma_wait3A_46 : memref<1x16384xi32, #tpu.memory_space<hbm>> -> memref<16384xi32, #tpu.memory_space<hbm>>
      tpu.wait_dma2 semaphore(%run_scoped3A : memref<!tpu.dma_semaphore, #tpu.memory_space<semaphore_mem>>) src(%arg7 : memref<16384xi32, #tpu.memory_space<vmem>>) dst(%dma_wait3A_47 : memref<16384xi32, #tpu.memory_space<hbm>>)
      tpu.yield
    }) : () -> ()
    %add3A_37 = arith.constant 16384 : i32
    %add3A_38 = arith.addi %mul3A_32, %add3A_37 : i32
    "tpu.region"() ({
      %run_scoped3A = tpu.sem_alloc : memref<!tpu.dma_semaphore, #tpu.memory_space<semaphore_mem>>
      %dma_start3A = tpu.memref_slice %arg3[%select_n3A_9, %add3A_38] : memref<4x262144xi32, #tpu.memory_space<hbm>> -> memref<1x16384xi32, #tpu.memory_space<hbm>>
      %dma_start3A_42 = tpu.memref_squeeze %dma_start3A : memref<1x16384xi32, #tpu.memory_space<hbm>> -> memref<16384xi32, #tpu.memory_space<hbm>>
      %dma_start3A_43 = tpu.memref_slice %arg3[%select_n3A_9, %add3A_38] : memref<4x262144xi32, #tpu.memory_space<hbm>> -> memref<1x16384xi32, #tpu.memory_space<hbm>>
      %dma_start3A_44 = tpu.memref_squeeze %dma_start3A_43 : memref<1x16384xi32, #tpu.memory_space<hbm>> -> memref<16384xi32, #tpu.memory_space<hbm>>
      tpu.enqueue_dma source(%dma_start3A_44 : memref<16384xi32, #tpu.memory_space<hbm>>) target(%arg6 : memref<16384xi32, #tpu.memory_space<vmem>>) target_semaphore(%run_scoped3A : memref<!tpu.dma_semaphore, #tpu.memory_space<semaphore_mem>>)
      %dma_wait3A = tpu.memref_slice %arg3[%select_n3A_9, %add3A_38] : memref<4x262144xi32, #tpu.memory_space<hbm>> -> memref<1x16384xi32, #tpu.memory_space<hbm>>
      %dma_wait3A_45 = tpu.memref_squeeze %dma_wait3A : memref<1x16384xi32, #tpu.memory_space<hbm>> -> memref<16384xi32, #tpu.memory_space<hbm>>
      %dma_wait3A_46 = tpu.memref_slice %arg3[%select_n3A_9, %add3A_38] : memref<4x262144xi32, #tpu.memory_space<hbm>> -> memref<1x16384xi32, #tpu.memory_space<hbm>>
      %dma_wait3A_47 = tpu.memref_squeeze %dma_wait3A_46 : memref<1x16384xi32, #tpu.memory_space<hbm>> -> memref<16384xi32, #tpu.memory_space<hbm>>
      tpu.wait_dma2 semaphore(%run_scoped3A : memref<!tpu.dma_semaphore, #tpu.memory_space<semaphore_mem>>) src(%dma_wait3A_47 : memref<16384xi32, #tpu.memory_space<hbm>>) dst(%arg6 : memref<16384xi32, #tpu.memory_space<vmem>>)
      tpu.yield
    }) : () -> ()
    %parallel_loop3A_39 = arith.constant 0 : i32
    %parallel_loop3A_40 = arith.constant 1024 : i32
    %parallel_loop3A_41 = arith.constant 1 : i32
    scf.for %parallel_loop3A_42 = %parallel_loop3A_39 to %parallel_loop3A_40 step %parallel_loop3A_41  : i32 {
      %parallel_loop3A_43 = arith.constant 16 : i32
      %parallel_loop3A_44 = arith.muli %parallel_loop3A_42, %parallel_loop3A_43 : i32
      %parallel_loop3A_45 = arith.index_cast %parallel_loop3A_44 : i32 to index
      %parallel_loop3A_46 = tpu.vector_load %arg6[%parallel_loop3A_45] {strides = array<i32>} : memref<16384xi32, #tpu.memory_space<vmem>>, vector<16xi32>,
      %parallel_loop3A_47 = tpu.vector_load_idx %arg5[%parallel_loop3A_46] : memref<65536xi32, #tpu.memory_space<vmem>>[vector<16xi32>], vector<16xi32>,
      %parallel_loop3A_48 = arith.constant 16 : i32
      %parallel_loop3A_49 = arith.muli %parallel_loop3A_42, %parallel_loop3A_48 : i32
      %parallel_loop3A_50 = arith.index_cast %parallel_loop3A_49 : i32 to index
      %parallel_loop3A_51 = tpu.vector_load %arg7[%parallel_loop3A_50] {strides = array<i32>} : memref<16384xi32, #tpu.memory_space<vmem>>, vector<16xi32>,
      tpu.vector_store %arg7[%parallel_loop3A_50], %parallel_loop3A_47 {strides = array<i32>} : memref<16384xi32, #tpu.memory_space<vmem>>, vector<16xi32>,
    } {sc.loop_unroll_factor = 8 : i64, sc.parallel_access}
    "tpu.region"() ({
      %run_scoped3A = tpu.sem_alloc : memref<!tpu.dma_semaphore, #tpu.memory_space<semaphore_mem>>
      %dma_start3A = tpu.memref_slice %arg4[%select_n3A_9, %add3A_38] : memref<4x262144xi32, #tpu.memory_space<hbm>> -> memref<1x16384xi32, #tpu.memory_space<hbm>>
      %dma_start3A_42 = tpu.memref_squeeze %dma_start3A : memref<1x16384xi32, #tpu.memory_space<hbm>> -> memref<16384xi32, #tpu.memory_space<hbm>>
      %dma_start3A_43 = tpu.memref_slice %arg4[%select_n3A_9, %add3A_38] : memref<4x262144xi32, #tpu.memory_space<hbm>> -> memref<1x16384xi32, #tpu.memory_space<hbm>>
      %dma_start3A_44 = tpu.memref_squeeze %dma_start3A_43 : memref<1x16384xi32, #tpu.memory_space<hbm>> -> memref<16384xi32, #tpu.memory_space<hbm>>
      tpu.enqueue_dma source(%arg7 : memref<16384xi32, #tpu.memory_space<vmem>>) target(%dma_start3A_44 : memref<16384xi32, #tpu.memory_space<hbm>>) target_semaphore(%run_scoped3A : memref<!tpu.dma_semaphore, #tpu.memory_space<semaphore_mem>>)
      %dma_wait3A = tpu.memref_slice %arg4[%select_n3A_9, %add3A_38] : memref<4x262144xi32, #tpu.memory_space<hbm>> -> memref<1x16384xi32, #tpu.memory_space<hbm>>
      %dma_wait3A_45 = tpu.memref_squeeze %dma_wait3A : memref<1x16384xi32, #tpu.memory_space<hbm>> -> memref<16384xi32, #tpu.memory_space<hbm>>
      %dma_wait3A_46 = tpu.memref_slice %arg4[%select_n3A_9, %add3A_38] : memref<4x262144xi32, #tpu.memory_space<hbm>> -> memref<1x16384xi32, #tpu.memory_space<hbm>>
      %dma_wait3A_47 = tpu.memref_squeeze %dma_wait3A_46 : memref<1x16384xi32, #tpu.memory_space<hbm>> -> memref<16384xi32, #tpu.memory_space<hbm>>
      tpu.wait_dma2 semaphore(%run_scoped3A : memref<!tpu.dma_semaphore, #tpu.memory_space<semaphore_mem>>) src(%arg7 : memref<16384xi32, #tpu.memory_space<vmem>>) dst(%dma_wait3A_47 : memref<16384xi32, #tpu.memory_space<hbm>>)
      tpu.yield
    }) : () -> ()
    return
  }
}

module attributes {stable_mosaic.version = 14 : i64} {
  func.func @_pack_rows_kernel(%arg0: i32, %arg1: memref<64x32768xi32, #tpu.memory_space<vmem>>, %arg2: memref<4x64xbf16, #tpu.memory_space<vmem>>, %arg3: memref<4x32768xi32, #tpu.memory_space<vmem>>) attributes {dimension_semantics = [#tpu.dimension_semantics<arbitrary>], iteration_bounds = array<i64: 2>, scalar_prefetch = 0 : i64, scratch_operands = 0 : i64, tpu.core_type = #tpu.core_type<tc>, window_params = [{transform_indices = @transform_0, window_bounds = array<i64: 64, 32768>}, {pipeline_mode = #tpu.pipeline_mode<synchronous>, transform_indices = @transform_1, window_bounds = array<i64: 4, 64>}, {transform_indices = @transform_2, window_bounds = array<i64: 4, 32768>}]} {
    %get3A = arith.constant 0 : index
    %get3A_0 = arith.constant 0 : index
    %get3A_1 = vector.load %arg1[%get3A, %get3A_0] : memref<64x32768xi32, #tpu.memory_space<vmem>>, vector<64x32768xi32>
    %convert_element_type3A = arith.sitofp %get3A_1 : vector<64x32768xi32> to vector<64x32768xbf16>
    %get3A_2 = arith.constant 0 : index
    %get3A_3 = arith.constant 0 : index
    %get3A_4 = vector.load %arg2[%get3A_2, %get3A_3] : memref<4x64xbf16, #tpu.memory_space<vmem>>, vector<4x64xbf16>
    %dot_general3A = arith.constant dense<0.000000e+00> : vector<4x32768xf32>
    %dot_general3A_5 = tpu.matmul %get3A_4, %convert_element_type3A, %dot_general3A {dimension_numbers = #tpu.dot_dimension_numbers<[1], [0], [0], [1], [0, 0, 1, 1], [], []>, transpose_lhs_hint = false} : vector<4x64xbf16>, vector<64x32768xbf16>, vector<4x32768xf32> -> vector<4x32768xf32>
    %convert_element_type3A_6 = arith.fptosi %dot_general3A_5 : vector<4x32768xf32> to vector<4x32768xi32>
    %swap3A = arith.constant 0 : index
    %swap3A_7 = arith.constant 0 : index
    %swap3A_8 = vector.load %arg3[%swap3A, %swap3A_7] : memref<4x32768xi32, #tpu.memory_space<vmem>>, vector<4x32768xi32>
    tpu.vector_store %arg3[%swap3A, %swap3A_7], %convert_element_type3A_6 {strides = array<i32>} : memref<4x32768xi32, #tpu.memory_space<vmem>>, vector<4x32768xi32>,
    return
  }
  func.func @transform_0(%arg0: i32) -> (i32, i32) {
    %c0_i32 = arith.constant 0 : i32
    %c0_i32_0 = arith.constant 0 : i32
    return %c0_i32, %arg0 : i32, i32
  }
  func.func @transform_1(%arg0: i32) -> (i32, i32) {
    %c0_i32 = arith.constant 0 : i32
    %c0_i32_0 = arith.constant 0 : i32
    %c0_i32_1 = arith.constant 0 : i32
    return %c0_i32, %c0_i32_0 : i32, i32
  }
  func.func @transform_2(%arg0: i32) -> (i32, i32) {
    %c0_i32 = arith.constant 0 : i32
    %c0_i32_0 = arith.constant 0 : i32
    return %c0_i32, %arg0 : i32, i32
  }
}

module attributes {stable_mosaic.version = 14 : i64} {
  func.func @_pack_rows_kernel(%arg0: i32, %arg1: memref<64x32768xi32, #tpu.memory_space<vmem>>, %arg2: memref<4x64xbf16, #tpu.memory_space<vmem>>, %arg3: memref<4x32768xi32, #tpu.memory_space<vmem>>) attributes {dimension_semantics = [#tpu.dimension_semantics<arbitrary>], iteration_bounds = array<i64: 8>, scalar_prefetch = 0 : i64, scratch_operands = 0 : i64, tpu.core_type = #tpu.core_type<tc>, window_params = [{transform_indices = @transform_0, window_bounds = array<i64: 64, 32768>}, {pipeline_mode = #tpu.pipeline_mode<synchronous>, transform_indices = @transform_1, window_bounds = array<i64: 4, 64>}, {transform_indices = @transform_2, window_bounds = array<i64: 4, 32768>}]} {
    %get3A = arith.constant 0 : index
    %get3A_0 = arith.constant 0 : index
    %get3A_1 = vector.load %arg1[%get3A, %get3A_0] : memref<64x32768xi32, #tpu.memory_space<vmem>>, vector<64x32768xi32>
    %convert_element_type3A = arith.sitofp %get3A_1 : vector<64x32768xi32> to vector<64x32768xbf16>
    %get3A_2 = arith.constant 0 : index
    %get3A_3 = arith.constant 0 : index
    %get3A_4 = vector.load %arg2[%get3A_2, %get3A_3] : memref<4x64xbf16, #tpu.memory_space<vmem>>, vector<4x64xbf16>
    %dot_general3A = arith.constant dense<0.000000e+00> : vector<4x32768xf32>
    %dot_general3A_5 = tpu.matmul %get3A_4, %convert_element_type3A, %dot_general3A {dimension_numbers = #tpu.dot_dimension_numbers<[1], [0], [0], [1], [0, 0, 1, 1], [], []>, transpose_lhs_hint = false} : vector<4x64xbf16>, vector<64x32768xbf16>, vector<4x32768xf32> -> vector<4x32768xf32>
    %convert_element_type3A_6 = arith.fptosi %dot_general3A_5 : vector<4x32768xf32> to vector<4x32768xi32>
    %swap3A = arith.constant 0 : index
    %swap3A_7 = arith.constant 0 : index
    %swap3A_8 = vector.load %arg3[%swap3A, %swap3A_7] : memref<4x32768xi32, #tpu.memory_space<vmem>>, vector<4x32768xi32>
    tpu.vector_store %arg3[%swap3A, %swap3A_7], %convert_element_type3A_6 {strides = array<i32>} : memref<4x32768xi32, #tpu.memory_space<vmem>>, vector<4x32768xi32>,
    return
  }
  func.func @transform_0(%arg0: i32) -> (i32, i32) {
    %c0_i32 = arith.constant 0 : i32
    %c0_i32_0 = arith.constant 0 : i32
    return %c0_i32, %arg0 : i32, i32
  }
  func.func @transform_1(%arg0: i32) -> (i32, i32) {
    %c0_i32 = arith.constant 0 : i32
    %c0_i32_0 = arith.constant 0 : i32
    %c0_i32_1 = arith.constant 0 : i32
    return %c0_i32, %c0_i32_0 : i32, i32
  }
  func.func @transform_2(%arg0: i32) -> (i32, i32) {
    %c0_i32 = arith.constant 0 : i32
    %c0_i32_0 = arith.constant 0 : i32
    return %c0_i32, %arg0 : i32, i32
  }
}

module attributes {stable_mosaic.version = 14 : i64} {
  func.func @_final_kernel(%arg0: i32, %arg1: memref<4x32768xi32, #tpu.memory_space<vmem>>, %arg2: memref<4x32768xi32, #tpu.memory_space<vmem>>, %arg3: memref<64x8xi32, #tpu.memory_space<vmem>>, %arg4: memref<64x32768xi32, #tpu.memory_space<vmem>>) attributes {dimension_semantics = [#tpu.dimension_semantics<arbitrary>], iteration_bounds = array<i64: 8>, scalar_prefetch = 0 : i64, scratch_operands = 0 : i64, tpu.core_type = #tpu.core_type<tc>, window_params = [{transform_indices = @transform_0, window_bounds = array<i64: 4, 32768>}, {transform_indices = @transform_1, window_bounds = array<i64: 4, 32768>}, {pipeline_mode = #tpu.pipeline_mode<synchronous>, transform_indices = @transform_2, window_bounds = array<i64: 64, 8>}, {transform_indices = @transform_3, window_bounds = array<i64: 64, 32768>}]} {
    %get3A = arith.constant 0 : index
    %get3A_0 = arith.constant 0 : index
    %get3A_1 = vector.load %arg1[%get3A, %get3A_0] : memref<4x32768xi32, #tpu.memory_space<vmem>>, vector<4x32768xi32>
    %get3A_2 = arith.constant 0 : index
    %get3A_3 = arith.constant 0 : index
    %get3A_4 = vector.load %arg2[%get3A_2, %get3A_3] : memref<4x32768xi32, #tpu.memory_space<vmem>>, vector<4x32768xi32>
    %xor3A = arith.xori %get3A_1, %get3A_4 : vector<4x32768xi32>
    %broadcast_in_dim3A = arith.constant 0 : i32
    %broadcast_in_dim3A_5 = vector.broadcast %broadcast_in_dim3A : i32 to vector<1x32768xi32>
    %slice3A = vector.extract_strided_slice %get3A_1 {offsets = [0, 0], sizes = [3, 32768], strides = [1, 1]} : vector<4x32768xi32> to vector<3x32768xi32>
    %concatenate3A = tpu.concatenate %broadcast_in_dim3A_5, %slice3A in 0 : vector<1x32768xi32>, vector<3x32768xi32> -> vector<4x32768xi32>
    %slice3A_6 = vector.extract_strided_slice %get3A_1 {offsets = [1, 0], sizes = [3, 32768], strides = [1, 1]} : vector<4x32768xi32> to vector<3x32768xi32>
    %concatenate3A_7 = tpu.concatenate %slice3A_6, %broadcast_in_dim3A_5 in 0 : vector<3x32768xi32>, vector<1x32768xi32> -> vector<4x32768xi32>
    %shift_left3A = arith.constant 1 : i32
    %shift_left3A_8 = vector.broadcast %shift_left3A : i32 to vector<4x32768xi32>
    %shift_left3A_9 = arith.shli %get3A_1, %shift_left3A_8 : vector<4x32768xi32>
    %shift_right_arithmetic3A = arith.constant 15 : i32
    %shift_right_arithmetic3A_10 = vector.broadcast %shift_right_arithmetic3A : i32 to vector<4x32768xi32>
    %shift_right_arithmetic3A_11 = arith.shrsi %concatenate3A, %shift_right_arithmetic3A_10 : vector<4x32768xi32>
    %and3A = arith.constant 1 : i32
    %and3A_12 = vector.broadcast %and3A : i32 to vector<4x32768xi32>
    %and3A_13 = arith.andi %shift_right_arithmetic3A_11, %and3A_12 : vector<4x32768xi32>
    %or3A = arith.ori %shift_left3A_9, %and3A_13 : vector<4x32768xi32>
    %and3A_14 = arith.constant 1 : i32
    %and3A_15 = vector.broadcast %and3A_14 : i32 to vector<4x32768xi32>
    %and3A_16 = arith.andi %concatenate3A_7, %and3A_15 : vector<4x32768xi32>
    %shift_left3A_17 = arith.constant 17 : i32
    %shift_left3A_18 = vector.broadcast %shift_left3A_17 : i32 to vector<4x32768xi32>
    %shift_left3A_19 = arith.shli %and3A_16, %shift_left3A_18 : vector<4x32768xi32>
    %or3A_20 = arith.ori %or3A, %shift_left3A_19 : vector<4x32768xi32>
    %get3A_21 = arith.constant 0 : index
    %get3A_22 = arith.constant 0 : index
    %get3A_23 = vector.load %arg3[%get3A_21, %get3A_22] : memref<64x8xi32, #tpu.memory_space<vmem>>, vector<64x8xi32>
    %broadcast_in_dim3A_24 = arith.constant 0 : i32
    %broadcast_in_dim3A_25 = vector.broadcast %broadcast_in_dim3A_24 : i32 to vector<64x1xi32>
    %slice3A_26 = vector.extract_strided_slice %get3A_23 {offsets = [0, 0], sizes = [64, 1], strides = [1, 1]} : vector<64x8xi32> to vector<64x1xi32>
    %shift_left3A_27 = arith.constant 0 : i32
    %shift_left3A_28 = vector.broadcast %shift_left3A_27 : i32 to vector<64x1xi32>
    %shift_left3A_29 = arith.shli %slice3A_26, %shift_left3A_28 : vector<64x1xi32>
    %or3A_30 = arith.ori %broadcast_in_dim3A_25, %shift_left3A_29 : vector<64x1xi32>
    %slice3A_31 = vector.extract_strided_slice %get3A_23 {offsets = [0, 1], sizes = [64, 1], strides = [1, 1]} : vector<64x8xi32> to vector<64x1xi32>
    %shift_left3A_32 = arith.constant 4 : i32
    %shift_left3A_33 = vector.broadcast %shift_left3A_32 : i32 to vector<64x1xi32>
    %shift_left3A_34 = arith.shli %slice3A_31, %shift_left3A_33 : vector<64x1xi32>
    %or3A_35 = arith.ori %or3A_30, %shift_left3A_34 : vector<64x1xi32>
    %slice3A_36 = vector.extract_strided_slice %get3A_23 {offsets = [0, 2], sizes = [64, 1], strides = [1, 1]} : vector<64x8xi32> to vector<64x1xi32>
    %shift_left3A_37 = arith.constant 2 : i32
    %shift_left3A_38 = vector.broadcast %shift_left3A_37 : i32 to vector<64x1xi32>
    %shift_left3A_39 = arith.shli %slice3A_36, %shift_left3A_38 : vector<64x1xi32>
    %or3A_40 = arith.ori %or3A_35, %shift_left3A_39 : vector<64x1xi32>
    %slice3A_41 = vector.extract_strided_slice %get3A_23 {offsets = [0, 3], sizes = [64, 1], strides = [1, 1]} : vector<64x8xi32> to vector<64x1xi32>
    %shift_left3A_42 = arith.constant 6 : i32
    %shift_left3A_43 = vector.broadcast %shift_left3A_42 : i32 to vector<64x1xi32>
    %shift_left3A_44 = arith.shli %slice3A_41, %shift_left3A_43 : vector<64x1xi32>
    %or3A_45 = arith.ori %or3A_40, %shift_left3A_44 : vector<64x1xi32>
    %slice3A_46 = vector.extract_strided_slice %get3A_23 {offsets = [0, 4], sizes = [64, 1], strides = [1, 1]} : vector<64x8xi32> to vector<64x1xi32>
    %shift_left3A_47 = arith.constant 1 : i32
    %shift_left3A_48 = vector.broadcast %shift_left3A_47 : i32 to vector<64x1xi32>
    %shift_left3A_49 = arith.shli %slice3A_46, %shift_left3A_48 : vector<64x1xi32>
    %or3A_50 = arith.ori %or3A_45, %shift_left3A_49 : vector<64x1xi32>
    %slice3A_51 = vector.extract_strided_slice %get3A_23 {offsets = [0, 5], sizes = [64, 1], strides = [1, 1]} : vector<64x8xi32> to vector<64x1xi32>
    %shift_left3A_52 = arith.constant 5 : i32
    %shift_left3A_53 = vector.broadcast %shift_left3A_52 : i32 to vector<64x1xi32>
    %shift_left3A_54 = arith.shli %slice3A_51, %shift_left3A_53 : vector<64x1xi32>
    %or3A_55 = arith.ori %or3A_50, %shift_left3A_54 : vector<64x1xi32>
    %slice3A_56 = vector.extract_strided_slice %get3A_23 {offsets = [0, 6], sizes = [64, 1], strides = [1, 1]} : vector<64x8xi32> to vector<64x1xi32>
    %shift_left3A_57 = arith.constant 3 : i32
    %shift_left3A_58 = vector.broadcast %shift_left3A_57 : i32 to vector<64x1xi32>
    %shift_left3A_59 = arith.shli %slice3A_56, %shift_left3A_58 : vector<64x1xi32>
    %or3A_60 = arith.ori %or3A_55, %shift_left3A_59 : vector<64x1xi32>
    %slice3A_61 = vector.extract_strided_slice %get3A_23 {offsets = [0, 7], sizes = [64, 1], strides = [1, 1]} : vector<64x8xi32> to vector<64x1xi32>
    %shift_left3A_62 = arith.constant 7 : i32
    %shift_left3A_63 = vector.broadcast %shift_left3A_62 : i32 to vector<64x1xi32>
    %shift_left3A_64 = arith.shli %slice3A_61, %shift_left3A_63 : vector<64x1xi32>
    %or3A_65 = arith.ori %or3A_60, %shift_left3A_64 : vector<64x1xi32>
    %iota3A = tpu.iota {dimensions = array<i32: 0>} : vector<64x32768xi32>
    %and3A_66 = arith.constant 15 : i32
    %and3A_67 = vector.broadcast %and3A_66 : i32 to vector<64x32768xi32>
    %and3A_68 = arith.andi %iota3A, %and3A_67 : vector<64x32768xi32>
    %slice3A_69 = vector.extract_strided_slice %or3A_20 {offsets = [0, 0], sizes = [1, 32768], strides = [1, 1]} : vector<4x32768xi32> to vector<1x32768xi32>
    %broadcast_in_dim3A_70 = vector.shape_cast %slice3A_69 : vector<1x32768xi32> to vector<1x32768xi32>
    %broadcast_in_dim3A_71 = vector.broadcast %broadcast_in_dim3A_70 : vector<1x32768xi32> to vector<16x32768xi32>
    %slice3A_72 = vector.extract_strided_slice %or3A_20 {offsets = [1, 0], sizes = [1, 32768], strides = [1, 1]} : vector<4x32768xi32> to vector<1x32768xi32>
    %broadcast_in_dim3A_73 = vector.shape_cast %slice3A_72 : vector<1x32768xi32> to vector<1x32768xi32>
    %broadcast_in_dim3A_74 = vector.broadcast %broadcast_in_dim3A_73 : vector<1x32768xi32> to vector<16x32768xi32>
    %slice3A_75 = vector.extract_strided_slice %or3A_20 {offsets = [2, 0], sizes = [1, 32768], strides = [1, 1]} : vector<4x32768xi32> to vector<1x32768xi32>
    %broadcast_in_dim3A_76 = vector.shape_cast %slice3A_75 : vector<1x32768xi32> to vector<1x32768xi32>
    %broadcast_in_dim3A_77 = vector.broadcast %broadcast_in_dim3A_76 : vector<1x32768xi32> to vector<16x32768xi32>
    %slice3A_78 = vector.extract_strided_slice %or3A_20 {offsets = [3, 0], sizes = [1, 32768], strides = [1, 1]} : vector<4x32768xi32> to vector<1x32768xi32>
    %broadcast_in_dim3A_79 = vector.shape_cast %slice3A_78 : vector<1x32768xi32> to vector<1x32768xi32>
    %broadcast_in_dim3A_80 = vector.broadcast %broadcast_in_dim3A_79 : vector<1x32768xi32> to vector<16x32768xi32>
    %concatenate3A_81 = tpu.concatenate %broadcast_in_dim3A_71, %broadcast_in_dim3A_74, %broadcast_in_dim3A_77, %broadcast_in_dim3A_80 in 0 : vector<16x32768xi32>, vector<16x32768xi32>, vector<16x32768xi32>, vector<16x32768xi32> -> vector<64x32768xi32>
    %shift_right_arithmetic3A_82 = arith.shrsi %concatenate3A_81, %and3A_68 : vector<64x32768xi32>
    %and3A_83 = arith.constant 7 : i32
    %and3A_84 = vector.broadcast %and3A_83 : i32 to vector<64x32768xi32>
    %and3A_85 = arith.andi %shift_right_arithmetic3A_82, %and3A_84 : vector<64x32768xi32>
    %broadcast_in_dim3A_86 = vector.shape_cast %or3A_65 : vector<64x1xi32> to vector<64x1xi32>
    %broadcast_in_dim3A_87 = vector.broadcast %broadcast_in_dim3A_86 : vector<64x1xi32> to vector<64x32768xi32>
    %shift_right_arithmetic3A_88 = arith.shrsi %broadcast_in_dim3A_87, %and3A_85 : vector<64x32768xi32>
    %and3A_89 = arith.constant 1 : i32
    %and3A_90 = vector.broadcast %and3A_89 : i32 to vector<64x32768xi32>
    %and3A_91 = arith.andi %shift_right_arithmetic3A_88, %and3A_90 : vector<64x32768xi32>
    %slice3A_92 = vector.extract_strided_slice %xor3A {offsets = [0, 0], sizes = [1, 32768], strides = [1, 1]} : vector<4x32768xi32> to vector<1x32768xi32>
    %broadcast_in_dim3A_93 = vector.shape_cast %slice3A_92 : vector<1x32768xi32> to vector<1x32768xi32>
    %broadcast_in_dim3A_94 = vector.broadcast %broadcast_in_dim3A_93 : vector<1x32768xi32> to vector<16x32768xi32>
    %slice3A_95 = vector.extract_strided_slice %xor3A {offsets = [1, 0], sizes = [1, 32768], strides = [1, 1]} : vector<4x32768xi32> to vector<1x32768xi32>
    %broadcast_in_dim3A_96 = vector.shape_cast %slice3A_95 : vector<1x32768xi32> to vector<1x32768xi32>
    %broadcast_in_dim3A_97 = vector.broadcast %broadcast_in_dim3A_96 : vector<1x32768xi32> to vector<16x32768xi32>
    %slice3A_98 = vector.extract_strided_slice %xor3A {offsets = [2, 0], sizes = [1, 32768], strides = [1, 1]} : vector<4x32768xi32> to vector<1x32768xi32>
    %broadcast_in_dim3A_99 = vector.shape_cast %slice3A_98 : vector<1x32768xi32> to vector<1x32768xi32>
    %broadcast_in_dim3A_100 = vector.broadcast %broadcast_in_dim3A_99 : vector<1x32768xi32> to vector<16x32768xi32>
    %slice3A_101 = vector.extract_strided_slice %xor3A {offsets = [3, 0], sizes = [1, 32768], strides = [1, 1]} : vector<4x32768xi32> to vector<1x32768xi32>
    %broadcast_in_dim3A_102 = vector.shape_cast %slice3A_101 : vector<1x32768xi32> to vector<1x32768xi32>
    %broadcast_in_dim3A_103 = vector.broadcast %broadcast_in_dim3A_102 : vector<1x32768xi32> to vector<16x32768xi32>
    %concatenate3A_104 = tpu.concatenate %broadcast_in_dim3A_94, %broadcast_in_dim3A_97, %broadcast_in_dim3A_100, %broadcast_in_dim3A_103 in 0 : vector<16x32768xi32>, vector<16x32768xi32>, vector<16x32768xi32>, vector<16x32768xi32> -> vector<64x32768xi32>
    %shift_right_arithmetic3A_105 = arith.shrsi %concatenate3A_104, %and3A_68 : vector<64x32768xi32>
    %and3A_106 = arith.constant 1 : i32
    %and3A_107 = vector.broadcast %and3A_106 : i32 to vector<64x32768xi32>
    %and3A_108 = arith.andi %shift_right_arithmetic3A_105, %and3A_107 : vector<64x32768xi32>
    %xor3A_109 = arith.xori %and3A_108, %and3A_91 : vector<64x32768xi32>
    %swap3A = arith.constant 0 : index
    %swap3A_110 = arith.constant 0 : index
    %swap3A_111 = vector.load %arg4[%swap3A, %swap3A_110] : memref<64x32768xi32, #tpu.memory_space<vmem>>, vector<64x32768xi32>
    tpu.vector_store %arg4[%swap3A, %swap3A_110], %xor3A_109 {strides = array<i32>} : memref<64x32768xi32, #tpu.memory_space<vmem>>, vector<64x32768xi32>,
    return
  }
  func.func @transform_0(%arg0: i32) -> (i32, i32) {
    %c0_i32 = arith.constant 0 : i32
    %c0_i32_0 = arith.constant 0 : i32
    return %c0_i32, %arg0 : i32, i32
  }
  func.func @transform_1(%arg0: i32) -> (i32, i32) {
    %c0_i32 = arith.constant 0 : i32
    %c0_i32_0 = arith.constant 0 : i32
    return %c0_i32, %arg0 : i32, i32
  }
  func.func @transform_2(%arg0: i32) -> (i32, i32) {
    %c0_i32 = arith.constant 0 : i32
    %c0_i32_0 = arith.constant 0 : i32
    %c0_i32_1 = arith.constant 0 : i32
    return %c0_i32, %c0_i32_0 : i32, i32
  }
  func.func @transform_3(%arg0: i32) -> (i32, i32) {
    %c0_i32 = arith.constant 0 : i32
    %c0_i32_0 = arith.constant 0 : i32
    return %c0_i32, %arg0 : i32, i32
  }
}

</mosaic_0001>

<sc_bundles>
// kernel: kernel.6.cloned.1.call-start
scs
__scs_entry_jumppad:
0x0: {  	(pc) =	sbr.rel $0x88, $3  }
0x1: {  	(tag) =	ssettag $0x0;
	lr =	simm.s32 $0x1  }
0x2: {  	[smem:$0x3F9E] =	sst lr;
	_ =	strace $0xD0000000  }
0x3: {  	_ = 	snop  }
0x4: {  	_ = 	snop  }
0x5: {  	_ = 	snop  }
0x6: {  	_ = 	snop  }
0x7: {  	_ = 	snop  }
__scs_overlays_trampoline_lowered:
0x8: {  	[smem:$0x3FAD] =	sst s0  }
0x9: {  	[smem:$0x3FAE] =	sst s1  }
0xa: {  	[smem:$0x3FAF] =	sst s2  }
0xb: {  	[smem:$0x3FB0] =	sst s3  }
0xc: {  	[smem:$0x3FB1] =	sst s4  }
0xd: {  	[smem:$0x3FB2] =	sst s5  }
0xe: {  	[smem:$0x3FB3] =	sst s6  }
0xf: {  	[smem:$0x3FB4] =	sst s7  }
0x10: {  	[smem:$0x3FB5] =	sst s8  }
0x11: {  	[smem:$0x3FB6] =	sst s9;
	s0 =	simm.s32 @!p0 $0x0  }
0x12: {  	s1 =	sld [smem:$0x3F9C];
	s0 =	simm.s32 @p0 $0x1  }
0x13: {  	[smem:$0x3FB7] =	sst s0;
	s0 =	simm.s32 @!p1 $0x0  }
0x14: {  	s2 =	sld [smem:$0x3F9B];
	s0 =	simm.s32 @p1 $0x1  }
0x15: {  	[smem:$0x3FB8] =	sst s0;
	s0 =	simm.s32 @!p2 $0x0  }
0x16: {  	s3 =	sld [smem:$0x3FDB];
	s0 =	simm.s32 @p2 $0x1  }
0x17: {  	s4 =	simm.s32 $0x1BF5;
	[smem:$0x3FBA] =	sst s0  }
0x18: {  	s0 =	sld [smem:$0x3F9D];
	_ =	swait.ge [sflag:s4], $0x0  }
0x19: {  	s7 =	sld [smem:$0x3F9E]  }
0x1a: {  	s8 =	sadd.s32 $0xFFFFE003, lr  }
0x1b: {  	s9 =	sadd.s32 $0xFFFFFEF7, lr;
	s5 =	simm.s32 $0xFFFFFFFF;
	p2 =	slt.u32 s8, $0xFFFFF086  }
0x1c: {  	p1 =	slt.u32 s9, $0xF7A;
	s5 =	simm.s32 @!p2 $0x0  }
0x1d: {  	s5 =	simm.s32 @p1 $0x1;
	p0 =	seq.s32 s7, s2  }
0x1e: {  	s7 =	smul.u32 @!p0 $0xF7A, s2;
	p2 =	seq.s32 @!p0 s5, $0x0  }
0x1f: {  	s9 =	smul.u32 $0xF7A, s1;
	s8 =	simm.s32 @!p0 $0x1BF5;
	p2 =	por !p2, p0  }
0x20: {  	[sflag:s8] =	ssyncset.s32 @!p0 $0xFFFFF086;
	s6 =	sadd.s32 @!p0 s3, s7;
	s7 =	simm.s32 @!p0 $0x108  }
0x21: {  	s3 =	sadd.s32 s3, s9;
	s6 =	sadd.s32 @!p0 $0x88, s6;
	s7 =	simm.s32 @p2 $0x1082  }
0x22: {  	[simem:s7], [sflag:s8] =	dma.local @!p0 [hbm:s6], $0xF7A  }
0x23: {  	s9 =	sor.u32 $0xD0000000, s2;
	s6 =	simm.s32 $0x108;
	_ =	swait.ge @!p0 [sflag:s8], $0x0  }
0x24: {  	s3 =	sadd.s32 $0x88, s3;
	s6 =	simm.s32 @!p1 $0x1082;
	[sflag:s4] =	ssyncset.s32 $0xFFFFF086  }
0x25: {  	[simem:s6], [sflag:s4] =	dma.local [hbm:s3], $0xF7A  }
0x26: {  	[smem:$0x3F9E] =	sst s1;
	(tag) =	ssettag s2;
	_ =	strace s9  }
0x27: {  	s1 =	sld [smem:$0x3FAE]  }
0x28: {  	s2 =	sld [smem:$0x3FAF]  }
0x29: {  	s4 =	sld [smem:$0x3FB1]  }
0x2a: {  	p0 =	seq.s32 s5, $0x0;
	s5 =	sld [smem:$0x3FB2]  }
0x2b: {  	s6 =	sld [smem:$0x3FB3]  }
0x2c: {  	s7 =	sld [smem:$0x3FB4]  }
0x2d: {  	s3 =	simm.s32 $0x108;
	s8 =	sld [smem:$0x3FB5]  }
0x2e: {  	s3 =	simm.s32 @!p0 $0x1082;
	s9 =	sld [smem:$0x3FB6]  }
0x2f: {  	lr =	sadd.s32 s0, s3;
	s0 =	sld [smem:$0x3FAD]  }
0x30: {  	s3 =	sld [smem:$0x3FB0]  }
0x31: {  	[smem:$0x3FB9] =	sst s10  }
0x32: {  	s10 =	sld [smem:$0x3FB7];
	_ =	sdelay $0x3  }
0x33: {  	p0 =	seq.s32 s10, $0x1;
	s10 =	sld [smem:$0x3FB9];
	_ =	sdelay $0x3  }
0x34: {  	[smem:$0x3FB9] =	sst s10  }
0x35: {  	s10 =	sld [smem:$0x3FB8];
	_ =	sdelay $0x3  }
0x36: {  	p1 =	seq.s32 s10, $0x1;
	s10 =	sld [smem:$0x3FB9];
	_ =	sdelay $0x3  }
0x37: {  	[smem:$0x3FB9] =	sst s10  }
0x38: {  	s10 =	sld [smem:$0x3FBA]  }
0x39: {  	_ = 	snop;
	(pc) =	sbr.ind lr, $3  }
0x3a: {  	_ = 	snop  }
0x3b: {  	_ = 	snop  }
0x3c: {  	p2 =	seq.s32 s10, $0x1;
	s10 =	sld [smem:$0x3FB9]  }
0x3d: {  	_ =	shalt  }
0x3e: {  	_ =	shalt  }
0x3f: {  	_ =	shalt  }
0x40: {  	_ =	shalt  }
0x41: {  	_ =	shalt  }
0x42: {  	_ =	shalt  }
0x43: {  	_ =	shalt  }
0x44: {  	_ =	shalt  }
0x45: {  	_ =	shalt  }
0x46: {  	_ =	shalt  }
0x47: {  	_ =	shalt  }
0x48: {  	_ =	shalt  }
0x49: {  	_ =	shalt  }
0x4a: {  	_ =	shalt  }
0x4b: {  	_ =	shalt  }
0x4c: {  	_ =	shalt  }
0x4d: {  	_ =	shalt  }
0x4e: {  	_ =	shalt  }
0x4f: {  	_ =	shalt  }
0x50: {  	_ =	shalt  }
0x51: {  	_ =	shalt  }
0x52: {  	_ =	shalt  }
0x53: {  	_ =	shalt  }
0x54: {  	_ =	shalt  }
0x55: {  	_ =	shalt  }
0x56: {  	_ =	shalt  }
0x57: {  	_ =	shalt  }
0x58: {  	_ =	shalt  }
0x59: {  	_ =	shalt  }
0x5a: {  	_ =	shalt  }
0x5b: {  	_ =	shalt  }
0x5c: {  	_ =	shalt  }
0x5d: {  	_ =	shalt  }
0x5e: {  	_ =	shalt  }
0x5f: {  	_ =	shalt  }
0x60: {  	_ =	shalt  }
0x61: {  	_ =	shalt  }
0x62: {  	_ =	shalt  }
0x63: {  	_ =	shalt  }
0x64: {  	_ =	shalt  }
0x65: {  	_ =	shalt  }
0x66: {  	_ =	shalt  }
0x67: {  	_ =	shalt  }
0x68: {  	_ =	shalt  }
0x69: {  	_ =	shalt  }
0x6a: {  	_ =	shalt  }
0x6b: {  	_ =	shalt  }
0x6c: {  	_ =	shalt  }
0x6d: {  	_ =	shalt  }
0x6e: {  	_ =	shalt  }
0x6f: {  	_ =	shalt  }
0x70: {  	_ =	shalt  }
0x71: {  	_ =	shalt  }
0x72: {  	_ =	shalt  }
0x73: {  	_ =	shalt  }
0x74: {  	_ =	shalt  }
0x75: {  	_ =	shalt  }
0x76: {  	_ =	shalt  }
0x77: {  	_ =	shalt  }
0x78: {  	_ =	shalt  }
0x79: {  	_ =	shalt  }
0x7a: {  	_ =	shalt  }
0x7b: {  	_ =	shalt  }
0x7c: {  	_ =	shalt  }
0x7d: {  	_ =	shalt  }
0x7e: {  	_ =	shalt  }
0x7f: {  	_ =	shalt  }
0x80: {  	_ =	shalt  }
0x81: {  	_ =	shalt  }
0x82: {  	_ =	shalt  }
0x83: {  	_ =	shalt  }
0x84: {  	_ =	shalt  }
0x85: {  	_ =	shalt  }
0x86: {  	_ =	shalt  }
0x87: {  	_ =	shalt  }
.Lfunc_end0:
.L_simem_size_0:
called_computation_lowered:
.L_overlay_start_0:
0x88: {  	s2 =	sld [smem:$0x3FD9]  }
0x89: {  	s3 =	sld [smem:$0x3FFE];
	_ =	sdelay $0x1  }
0x8a: {  	s1 =	srdreg.scid  }
0x8b: {  	s0 =	sand.u32 $0x1, s1  }
0x8c: {  	s17 =	sshll.u32 s0, $0xA;
	s2 =	sadd.s32 s3, s2  }
0x8d: {  	s2 =	sadd.s32 s2, s17  }
0x8e: {  	[smem:$0x3FC5] =	sst s2  }
0x8f: {  	_ = 	snop  }
0x90: {  	s2 =	sld [smem:$0x3FD0];
	(tm) =	ssettm $0x1  }
0x91: {  	s18 =	sld [smem:$0x3FFB];
	_ =	sdelay $0x3  }
0x92: {  	_ =	strace s18  }
0x93: {  	s3 =	sld [smem:$0x3FFC];
	_ =	sdelay $0x3  }
0x94: {  	_ =	strace s3  }
0x95: {  	s3 =	sld [smem:$0x3FFD];
	_ =	sdelay $0x3  }
0x96: {  	_ =	strace s3  }
0x97: {  	_ =	strace $0x8FFFFFFF  }
0x98: {  	s19 =	sld [smem:$0x3FDB];
	_ =	sdelay $0x1  }
0x99: {  	s4 =	simm.s32 $_scs_section_size  }
0x9a: {  	s5 =	simm.s32 $_size__tile_overlayer_lowered;
	s6 =	simm.s32 $_tile_overlayer_lowered  }
0x9b: {  	s22 =	simm.s32 $0x1BFF;
	s21 =	sshll.u32 s6, $0x1;
	s3 =	sadd.s32 s4, s19  }
0x9c: {  	s7 =	simm.s32 $0x0;
	s20 =	sshll.u32 s5, $0x1;
	s5 =	sadd.s32 s21, s3  }
0x9d: {  	[timem:s7], [sflag:s22] =	dma.local [hbm:s5], s20  }
0x9e: {  	_ =	swait.ge [sflag:s22], s20  }
0x9f: {  	s4 =	ssub.s32 $0x0, s20;
	[sflag:s22] =	ssyncset.done $0x0  }
0xa0: {  	[sflag:s22] =	ssyncadd.s32 s4;
	_ =	sdelay $0x1  }
0xa1: {  	s23 =	simm.s32 $0x1B8B  }
0xa2: {  	_ =	swait.ge [sflag:s23], $0x1  }
0xa3: {  	[sflag:s23] =	ssyncset.done $0x0  }
0xa4: {  	s25 =	simm.s32 $0x1B8E;
	s24 =	sld [smem:$0x3FFE];
	[sflag:s23] =	ssyncadd.s32 $0xFFFFFFFF  }
0xa5: {  	s26 =	simm.s32 $execute0_lowered;
	[smem:$0x3FD2] =	sst s25  }
0xa6: {  	s5 =	sshll.u32 s26, $0x1;
	_ =	strace $0x80000046;
	[dreg:$0x1] =	wrdreg $0xFFFFFFFF  }
0xa7: {  	s28 =	simm.s32 $_size_execute0_lowered;
	s3 =	sadd.s32 s3, s5;
	[dreg:$0x0] =	wrdreg $0x0  }
0xa8: {  	s5 =	sshll.u32 s28, $0x1;
	[dreg:$0x2] =	wrdreg s3  }
0xa9: {  	[dreg:$0x3] =	wrdreg s5  }
0xaa: {  	[dreg:$0x4] =	wrdreg $0xC0  }
0xab: {  	_ =	task [dreg:s7], $0x5FFFF  }
0xac: {  	[dreg:$0x1] =	wrdreg $0xFFFFFFFF  }
0xad: {  	[dreg:$0x0] =	wrdreg $0x60  }
0xae: {  	[dreg:$0x2] =	wrdreg s24  }
0xaf: {  	[dreg:$0x3] =	wrdreg s2  }
0xb0: {  	[dreg:$0x4] =	wrdreg $0x9  }
0xb1: {  	_ =	task.clear_ibuf [dreg:s7], $0x5FFFF;
	_ =	strace $0x90000046  }
0xb2: {  	s29 =	simm.s32 $0x9;
	_ =	strace $0x80000048  }
0xb3: {  	_ =	swait.ge [sflag:s29], $0x1  }
0xb4: {  	[sflag:s29] =	ssyncadd.s32 $0xFFFFFFFF  }
0xb5: {  	_ =	strace $0x90000048  }
0xb6: {  	_ =	sfence  }
0xb7: {  	s30 =	sld [smem:$0x0];
	_ =	sdelay $0x2  }
0xb8: {  	s31 =	sshll.u32 s1, $0xD;
	s1 =	sshrl.u32 s1, $0x2  }
0xb9: {  	s3 =	sand.u32 $0x4000, s31;
	s1 =	sadd.s32 s1, s30  }
0xba: {  	s0 =	sor.u32 s3, s0;
	s1 =	sshll.u32 s1, $0x11  }
0xbb: {  	s0 =	sor.u32 s1, s0  }
0xbc: {  	s0 =	sadd.s32 $0x8F2B, s0  }
0xbd: {  	[sflag:s0] =	ssyncadd.remote.s32 $0x1  }
0xbe: {  	_ =	sfence.sel $0xFFFF  }
0xbf: {  	[dreg:$0x0] =	wrdreg $0xFFFFFFFF;
	(pc) =	sbr.abs _section_cstart, $3  }
0xc0: {  	[dreg:$0x1] =	wrdreg $0xFFFFFFFF  }
0xc1: {  	_ =	task.clear_ibuf [dreg:s7], $0x2FFFF;
	_ =	strace $0x9FFFFFFF  }
0xc2: {  	(tm) =	ssettm $0x7FFFFFFF  }
0xc3: {  	_ =	shalt  }
tec
execute0_lowered:
.L_overlay_start_1:
0x0: {  	(tag) =	ssettag $0x1  }
0x1: {  	s3 =	rddreg [dreg:$0x0]  }
0x2: {  	s6 =	rddreg [dreg:$0x1]  }
0x3: {  	s1 =	stileid.u32;
	s0 =	rddreg [dreg:$0x2]  }
0x4: {  	s4 =	srdreg.scid;
	s2 =	simm.s32 $0x0;
	s11 =	simm.s32 $0x1  }
0x5: {  	s12 =	simm.s32 $0x10000;
	s13 =	simm.s32 $0x14000;
	s14 =	simm.s32 $0x0  }
0x6: {  	s5 =	sshll.u32 s1, $0x1;
	s4 =	sand.u32 $0x1, s4;
	[smem:$0x7FF] =	sst s2  }
0x7: {  	s8 =	sshll.u32 s1, $0xD;
	s9 =	sadd.s32 $0x9400, s3;
	s5 =	sand.u32 $0x2, s5  }
0x8: {  	_ =	strace $0x80000047;
	s5 =	sor.u32 s4, s5;
	s4 =	ssub.s32 $0x2, s4  }
0x9: {  	s8 =	sand.u32 $0x1C000, s8;
	s5 =	sshll.u32 s5, $0x4;
	s30 =	sshrl.u32 s4, $0x1  }
0xa: {  	s7 =	sadd.s32 s5, s3;
	s10 =	ssub.s32 s4, s30;
	s31 =	sor.u32 s8, s5  }
0xb: {  	s3 =	sadd.s32 $0x1400, s7;
	s4 =	sadd.s32 s6, s31;
	s5 =	sadd.s32 s9, s31  }
0xc: {  	s7 =	sor.u32 $0x2000, s31;
	s8 =	smax.u32 s10, $0x1;
	s10 =	simm.s32 $0x200  }
0xd: {  	s6 =	sadd.s32 s6, s7;
	s7 =	sadd.s32 s9, s7;
	s9 =	simm.s32 $0x80  }
.LBB2_1:
0xe: {  	[tilespmem:s2], [sflag:$0x1] =	stream.strided.gather [hbm4b:s3+s9], $0x10000, s10, s9, $0x38;
	[tilespmem:$0x18000] =	vst v63  }
0xf: {  	_ =	swait.ge [sflag:s11], $0x10000  }
0x10: {  	[sflag:s11] =	ssyncset.done $0x0  }
0x11: {  	[sflag:s11] =	ssyncadd.s32 $0xFFFF0000  }
0x12: {  	[tilespmem:s12], [sflag:$0x1] =	stream.strided.gather [hbm4b:s4+s9], $0x4000, s10, s9, $0x38;
	[tilespmem:$0x18000] =	vst v63  }
0x13: {  	_ =	swait.ge [sflag:s11], $0x4000  }
0x14: {  	[sflag:s11] =	ssyncset.done $0x0  }
0x15: {  	s15 =	simm.s32 $0x10040;
	[sflag:s11] =	ssyncadd.s32 $0xFFFFC000  }
0x16: {  	v0 =	vld [tilespmem:s15+$0x30]  }
0x17: {  	v1 =	vld [tilespmem:s15+$0xFFFFFFD0]  }
0x18: {  	v2 =	vld [tilespmem:s15+$0xFFFFFFE0]  }
0x19: {  	v3 =	vld [tilespmem:s15+$0xFFFFFFF0]  }
0x1a: {  	v4 =	vld [tilespmem:s15+$0x0]  }
0x1b: {  	v6 =	vld [tilespmem:s15+$0x10]  }
0x1c: {  	v7 =	vld [tilespmem:s15+$0x20]  }
0x1d: {  	v8 =	vld [tilespmem:s15+$0xFFFFFFC0]  }
0x1e: {  	v9 =	vld.idx.msk [tilespmem:v0+s2+$0x0], $0xffff  }
0x1f: {  	v10 =	vld.idx.msk [tilespmem:v1+s2+$0x0], $0xffff  }
0x20: {  	v5 =	vld.idx.msk [tilespmem:v2+s2+$0x0], $0xffff  }
0x21: {  	v3 =	vld.idx.msk [tilespmem:v3+s2+$0x0], $0xffff  }
0x22: {  	v0 =	vld.idx.msk [tilespmem:v4+s2+$0x0], $0xffff  }
0x23: {  	s15 =	simm.s32 $0x14040;
	v1 =	vld.idx.msk [tilespmem:v6+s2+$0x0], $0xffff  }
0x24: {  	v2 =	vld.idx.msk [tilespmem:v7+s2+$0x0], $0xffff;
	[tilespmem:s15+$0x30] =	vst v9  }
0x25: {  	s16 =	simm.s32 $0x0;
	s17 =	simm.s32 $0x100C0;
	v4 =	vld.idx.msk [tilespmem:v8+s2+$0x0], $0xffff;
	[tilespmem:s15+$0xFFFFFFD0] =	vst v10  }
.LBB2_2:
0x26: {  	v6 =	vld [tilespmem:s17+$0x30];
	s16 =	sadd.s32 $0x8, s16;
	[tilespmem:s15+$0xFFFFFFE0] =	vst v5  }
0x27: {  	v5 =	vld [tilespmem:s17+$0xFFFFFFD0];
	p0 =	slt.u32 s16, $0x3F8;
	[tilespmem:s15+$0xFFFFFFF0] =	vst v3  }
0x28: {  	v3 =	vld [tilespmem:s17+$0xFFFFFFE0];
	[tilespmem:s15+$0x0] =	vst v0  }
0x29: {  	v0 =	vld [tilespmem:s17+$0xFFFFFFF0];
	[tilespmem:s15+$0x10] =	vst v1  }
0x2a: {  	v1 =	vld [tilespmem:s17+$0x0];
	[tilespmem:s15+$0x20] =	vst v2  }
0x2b: {  	v2 =	vld [tilespmem:s17+$0x10];
	[tilespmem:s15+$0xFFFFFFC0] =	vst v4  }
0x2c: {  	v4 =	vld [tilespmem:s17+$0x20]  }
0x2d: {  	v7 =	vld [tilespmem:s17+$0xFFFFFFC0]  }
0x2e: {  	v6 =	vld.idx.msk [tilespmem:v6+s2+$0x0], $0xffff  }
0x2f: {  	v8 =	vld.idx.msk [tilespmem:v5+s2+$0x0], $0xffff  }
0x30: {  	v5 =	vld.idx.msk [tilespmem:v3+s2+$0x0], $0xffff  }
.Ltmp0:
0x31: {  	v3 =	vld.idx.msk [tilespmem:v0+s2+$0x0], $0xffff;
	(pc) =	sbr.rel @p0 .LBB2_2-.Ltmp0, $4  }
0x32: {  	v0 =	vld.idx.msk [tilespmem:v1+s2+$0x0], $0xffff  }
0x33: {  	s15 =	sadd.s32 $0x80, s15;
	v1 =	vld.idx.msk [tilespmem:v2+s2+$0x0], $0xffff  }
0x34: {  	v2 =	vld.idx.msk [tilespmem:v4+s2+$0x0], $0xffff;
	[tilespmem:s15+$0x30] =	vst v6  }
0x35: {  	s17 =	sadd.s32 $0x80, s17;
	v4 =	vld.idx.msk [tilespmem:v7+s2+$0x0], $0xffff;
	[tilespmem:s15+$0xFFFFFFD0] =	vst v8  }
0x36: {  	[tilespmem:s15+$0xFFFFFFE0] =	vst v5  }
0x37: {  	[tilespmem:s15+$0xFFFFFFF0] =	vst v3  }
0x38: {  	[tilespmem:s15+$0x0] =	vst v0  }
0x39: {  	[tilespmem:s15+$0x10] =	vst v1  }
0x3a: {  	[tilespmem:s15+$0x20] =	vst v2  }
0x3b: {  	[tilespmem:s15+$0xFFFFFFC0] =	vst v4  }
0x3c: {  	[hbm4b:s5+s9] =	stream.strided.scatter [tilespmem:s13], [sflag:$0x1], $0x4000, s10, s9, $0x38;
	[tilespmem:$0x18000] =	vst v63  }
0x3d: {  	_ =	swait.ge [sflag:s11], $0x4000  }
0x3e: {  	[sflag:s11] =	ssyncset.done $0x0  }
0x3f: {  	[sflag:s11] =	ssyncadd.s32 $0xFFFFC000  }
0x40: {  	[tilespmem:s12], [sflag:$0x1] =	stream.strided.gather [hbm4b:s6+s9], $0x4000, s10, s9, $0x38;
	[tilespmem:$0x18000] =	vst v63  }
0x41: {  	_ =	swait.ge [sflag:s11], $0x4000  }
0x42: {  	[sflag:s11] =	ssyncset.done $0x0  }
0x43: {  	s31 =	simm.s32 $0x10040;
	[sflag:s11] =	ssyncadd.s32 $0xFFFFC000  }
0x44: {  	v0 =	vld [tilespmem:s31+$0x30]  }
0x45: {  	v1 =	vld [tilespmem:s31+$0xFFFFFFD0]  }
0x46: {  	v2 =	vld [tilespmem:s31+$0xFFFFFFE0]  }
0x47: {  	v3 =	vld [tilespmem:s31+$0xFFFFFFF0]  }
0x48: {  	v4 =	vld [tilespmem:s31+$0x0]  }
0x49: {  	v6 =	vld [tilespmem:s31+$0x10]  }
0x4a: {  	v7 =	vld [tilespmem:s31+$0x20]  }
0x4b: {  	v8 =	vld [tilespmem:s31+$0xFFFFFFC0]  }
0x4c: {  	v9 =	vld.idx.msk [tilespmem:v0+s2+$0x0], $0xffff  }
0x4d: {  	v10 =	vld.idx.msk [tilespmem:v1+s2+$0x0], $0xffff  }
0x4e: {  	v5 =	vld.idx.msk [tilespmem:v2+s2+$0x0], $0xffff  }
0x4f: {  	v3 =	vld.idx.msk [tilespmem:v3+s2+$0x0], $0xffff  }
0x50: {  	v0 =	vld.idx.msk [tilespmem:v4+s2+$0x0], $0xffff  }
0x51: {  	s15 =	simm.s32 $0x14040;
	v1 =	vld.idx.msk [tilespmem:v6+s2+$0x0], $0xffff  }
0x52: {  	v2 =	vld.idx.msk [tilespmem:v7+s2+$0x0], $0xffff;
	[tilespmem:s15+$0x30] =	vst v9  }
0x53: {  	s16 =	simm.s32 $0x0;
	s17 =	simm.s32 $0x100C0;
	v4 =	vld.idx.msk [tilespmem:v8+s2+$0x0], $0xffff;
	[tilespmem:s15+$0xFFFFFFD0] =	vst v10  }
.LBB2_4:
0x54: {  	v6 =	vld [tilespmem:s17+$0x30];
	s16 =	sadd.s32 $0x8, s16;
	[tilespmem:s15+$0xFFFFFFE0] =	vst v5  }
0x55: {  	v5 =	vld [tilespmem:s17+$0xFFFFFFD0];
	p0 =	slt.u32 s16, $0x3F8;
	[tilespmem:s15+$0xFFFFFFF0] =	vst v3  }
0x56: {  	v3 =	vld [tilespmem:s17+$0xFFFFFFE0];
	[tilespmem:s15+$0x0] =	vst v0  }
0x57: {  	v0 =	vld [tilespmem:s17+$0xFFFFFFF0];
	[tilespmem:s15+$0x10] =	vst v1  }
0x58: {  	v1 =	vld [tilespmem:s17+$0x0];
	[tilespmem:s15+$0x20] =	vst v2  }
0x59: {  	v2 =	vld [tilespmem:s17+$0x10];
	[tilespmem:s15+$0xFFFFFFC0] =	vst v4  }
0x5a: {  	v4 =	vld [tilespmem:s17+$0x20]  }
0x5b: {  	v7 =	vld [tilespmem:s17+$0xFFFFFFC0]  }
0x5c: {  	v6 =	vld.idx.msk [tilespmem:v6+s2+$0x0], $0xffff  }
0x5d: {  	v8 =	vld.idx.msk [tilespmem:v5+s2+$0x0], $0xffff  }
0x5e: {  	v5 =	vld.idx.msk [tilespmem:v3+s2+$0x0], $0xffff  }
.Ltmp1:
0x5f: {  	v3 =	vld.idx.msk [tilespmem:v0+s2+$0x0], $0xffff;
	(pc) =	sbr.rel @p0 .LBB2_4-.Ltmp1, $4  }
0x60: {  	v0 =	vld.idx.msk [tilespmem:v1+s2+$0x0], $0xffff  }
0x61: {  	s15 =	sadd.s32 $0x80, s15;
	v1 =	vld.idx.msk [tilespmem:v2+s2+$0x0], $0xffff  }
0x62: {  	v2 =	vld.idx.msk [tilespmem:v4+s2+$0x0], $0xffff;
	[tilespmem:s15+$0x30] =	vst v6  }
0x63: {  	s17 =	sadd.s32 $0x80, s17;
	v4 =	vld.idx.msk [tilespmem:v7+s2+$0x0], $0xffff;
	[tilespmem:s15+$0xFFFFFFD0] =	vst v8  }
0x64: {  	[tilespmem:s15+$0xFFFFFFE0] =	vst v5  }
0x65: {  	[tilespmem:s15+$0xFFFFFFF0] =	vst v3  }
0x66: {  	[tilespmem:s15+$0x0] =	vst v0  }
0x67: {  	s14 =	sadd.s32 $0x1, s14;
	[tilespmem:s15+$0x10] =	vst v1  }
0x68: {  	p0 =	sne.s32 s14, s8;
	[tilespmem:s15+$0x20] =	vst v2  }
.Ltmp2:
0x69: {  	[tilespmem:s15+$0xFFFFFFC0] =	vst v4;
	(pc) =	sbr.rel @p0 .LBB2_1-.Ltmp2, $4  }
0x6a: {  	[hbm4b:s7+s9] =	stream.strided.scatter [tilespmem:s13], [sflag:$0x1], $0x4000, s10, s9, $0x38;
	[tilespmem:$0x18000] =	vst v63  }
0x6b: {  	_ =	swait.ge [sflag:s11], $0x4000  }
0x6c: {  	[sflag:s11] =	ssyncset.done $0x0  }
0x6d: {  	[sflag:s11] =	ssyncadd.s32 $0xFFFFC000  }
0x6e: {  	_ =	sfence.sel $0x180000  }
0x6f: {  	[bflag:$0x0] =	sbarrier.arrive $0xFFFF  }
0x70: {  	p0 =	sne.s32 s1, $0x0;
	_ =	strace $0x90000047  }
0x71: {  	s0 =	sadd.s32 @!p0 $0x100000, s0;
	[bflag:$0x2] =	sbarrier.arrive $0xFFFF  }
0x72: {  	[sflag:s0] =	ssyncadd.tile.s32 @!p0 $0x1;
	_ =	shalt  }
.Lfunc_end2:
_tile_overlayer_lowered:
.L_overlay_start_2:
0x73: {  	(tag) =	ssettag $0x2  }
0x74: {  	s0 =	rddreg [dreg:$0x0];
	s2 =	stileid.u32  }
0x75: {  	s1 =	rddreg [dreg:$0x1];
	p0 =	sne.s32 s2, $0x0  }
0x76: {  	s3 =	rddreg [dreg:$0x2];
	[bflag:$0x3] =	sbarrier.arrive $0xFFFF;
	s2 =	simm.s32 @!p0 $0x1C01  }
0x77: {  	[timem:s3], [sflag:s2] =	dma.local @!p0 [hbm:s0], s1  }
0x78: {  	s0 =	simm.s32 @!p0 $0x1  }
0x79: {  	_ =	swait.ge @!p0 [sflag:s0], s1  }
0x7a: {  	s1 =	ssub.s32 @!p0 $0x0, s1;
	[sflag:s0] =	ssyncset.done @!p0 $0x0  }
0x7b: {  	[sflag:s0] =	ssyncadd.s32 @!p0 s1  }
0x7c: {  	[bflag:$0x3] =	sbarrier.arrive $0xFFFF  }
0x7d: {  	_ =	shalt  }

</sc_bundles>
